<compile_context>
chip_gen: v7x
topology: tpu7x:2x2x1
jax: 0.10.2.dev20260603
libtpu: 0.0.44.dev20260713+nightly
codegen_flags: <defaults>
</compile_context>

<pallas_src>
import functools

import jax
import jax.numpy as jnp
from jax import lax
from jax.experimental import pallas as pl
from jax.experimental.pallas import tpu as pltpu
from jax.experimental.pallas import tpu_sc as plsc

EMB = 64
CHUNK = 400
SUBS = ((0, 128), (128, 128), (256, 128), (384, 16))
REPL = 256


@functools.partial(jax.jit, static_argnames=("total",))
def _sc_embedding_gather(table_pad, idx, total):
    info = plsc.get_sparse_core_info()
    num_workers = info.num_cores * info.num_subcores
    per_worker = total // num_workers
    n_chunks = per_worker // CHUNK
    half_t = n_chunks // 2
    mesh = plsc.VectorSubcoreMesh(core_axis_name="c", subcore_axis_name="s")

    @functools.partial(
        pl.kernel,
        mesh=mesh,
        out_type=jax.ShapeDtypeStruct((total, 2 * EMB), jnp.float32),
        scratch_types=[
            pltpu.VMEM((CHUNK,), jnp.int32),
            pltpu.VMEM((CHUNK,), jnp.int32),
            pltpu.VMEM((CHUNK, 2 * EMB), jnp.float32),
            pltpu.VMEM((CHUNK, 2 * EMB), jnp.float32),
            pltpu.SemaphoreType.DMA,
            pltpu.SemaphoreType.DMA,
            pltpu.SemaphoreType.DMA,
            pltpu.SemaphoreType.DMA,
        ],
    )
    def k(pt_hbm, idx_hbm, out_hbm, idx0, idx1, rows0, rows1,
          gsem0, gsem1, osem0, osem1):
        wid = lax.axis_index("s") * info.num_cores + lax.axis_index("c")
        base = wid * per_worker

        def fire_gather(idx_v, rows_v, gsem):
            for off, sz in SUBS:
                pltpu.async_copy(
                    pt_hbm.at[idx_v.at[pl.ds(off, sz)]],
                    rows_v.at[pl.ds(off, sz)],
                    gsem,
                )

        def drain_gather(rows_v, gsem):
            pltpu.make_async_copy(out_hbm.at[pl.ds(0, CHUNK)], rows_v, gsem).wait()

        def drain_out(rows_v, osem):
            pltpu.make_async_copy(rows_v, out_hbm.at[pl.ds(0, CHUNK)], osem).wait()

        def load_idx(g, idx_v):
            pltpu.sync_copy(idx_hbm.at[pl.ds(base + g * CHUNK, CHUNK)], idx_v)

        def fire_out(g, rows_v, osem):
            pltpu.async_copy(rows_v, out_hbm.at[pl.ds(base + g * CHUNK, CHUNK)], osem)

        load_idx(0, idx0)
        fire_gather(idx0, rows0, gsem0)

        def body(t, carry):
            g = 2 * t

            @pl.when(t > 0)
            def _():
                drain_out(rows1, osem1)

            load_idx(g + 1, idx1)
            fire_gather(idx1, rows1, gsem1)

            drain_gather(rows0, gsem0)
            fire_out(g, rows0, osem0)

            @pl.when(t < half_t - 1)
            def _():
                drain_out(rows0, osem0)
                load_idx(g + 2, idx0)
                fire_gather(idx0, rows0, gsem0)

            drain_gather(rows1, gsem1)
            fire_out(g + 1, rows1, osem1)
            return carry

        lax.fori_loop(0, half_t, body, 0)
        drain_out(rows0, osem0)
        drain_out(rows1, osem1)

    return k(table_pad, idx)


def kernel(atomic_numbers, embedding_table):
    n_outer, rows_i = atomic_numbers.shape
    total = atomic_numbers.size
    v = embedding_table.shape[0]
    idx = atomic_numbers.reshape(total).astype(jnp.int32)
    idx = idx + v * (jnp.arange(total, dtype=jnp.int32) % REPL)
    table_pad = jnp.pad(embedding_table, ((0, 0), (0, EMB)))
    table_rep = jnp.tile(table_pad, (REPL, 1))
    rows = _sc_embedding_gather(table_rep, idx, total)
    return rows.reshape(n_outer, rows_i, 2 * EMB)[:, :, :EMB]

# --- scband reference (transcript-rebuilt; emitter-appended) ---
"""Pipeline reference for scband-atom-embedding-30073361006979 (READ-ONLY COPY).

The authoritative reference and input builder live on the scoring server;
editing this copy changes nothing except your own understanding.
"""

import jax, jax.numpy as jnp
import numpy as np

EMB_SIZE = 64
MAX_ATOMIC_NUMBER = 128
VOCAB = MAX_ATOMIC_NUMBER + 1


def setup_inputs(seed: int = 0) -> dict:
    key = jax.random.key(seed)
    k1, k2 = jax.random.split(key)
    atomic_numbers = jax.random.randint(k1, (16384, 200), 0, VOCAB, dtype=jnp.int64 if jax.config.jax_enable_x64 else jnp.int32)
    # torch.nn.Embedding default init: N(0, 1)
    embedding_table = jax.random.normal(k2, (VOCAB, EMB_SIZE), dtype=jnp.float32)
    return {"atomic_numbers": atomic_numbers, "embedding_table": embedding_table}


def reference(atomic_numbers, embedding_table):
    # Faithful to AtomEmbedding.forward: a plain embedding lookup (print omitted).
    return jnp.take(embedding_table, atomic_numbers, axis=0)

if __name__ == "__main__":
    import jax
    _d = setup_inputs()
    print(jax.jit(kernel)(*tuple(_d.values())))

</pallas_src>

<mosaic_0001>
#map = affine_map<(d0, d1) -> (0, 0)>
#map1 = affine_map<(d0, d1) -> (0)>
module attributes {stable_mosaic.version = 14 : i64} {
  func.func @k(%arg0: i32, %arg1: i32, %arg2: memref<33024x128xf32, #tpu.memory_space<hbm>>, %arg3: memref<3276800xi32, #tpu.memory_space<hbm>>, %arg4: memref<3276800x128xf32, #tpu.memory_space<hbm>>, %arg5: memref<400xi32, #tpu.memory_space<vmem>>, %arg6: memref<400xi32, #tpu.memory_space<vmem>>, %arg7: memref<400x128xf32, #tpu.memory_space<vmem>>, %arg8: memref<400x128xf32, #tpu.memory_space<vmem>>, %arg9: memref<!tpu.dma_semaphore, #tpu.memory_space<semaphore_mem>>, %arg10: memref<!tpu.dma_semaphore, #tpu.memory_space<semaphore_mem>>, %arg11: memref<!tpu.dma_semaphore, #tpu.memory_space<semaphore_mem>>, %arg12: memref<!tpu.dma_semaphore, #tpu.memory_space<semaphore_mem>>) attributes {dimension_semantics = [#tpu.dimension_semantics<core_parallel>, #tpu.dimension_semantics<subcore_parallel>], iteration_bounds = array<i64: 2, 16>, scalar_prefetch = 0 : i64, scratch_operands = 8 : i64, tpu.core_type = #tpu.core_type<sc_vector_subcore>, window_params = [{transform_indices = #map}, {transform_indices = #map1}, {transform_indices = #map}]} {
    %mul3A = arith.constant 2 : i32
    %mul3A_0 = arith.muli %arg1, %mul3A : i32
    %add3A = arith.addi %mul3A_0, %arg0 : i32
    %mul3A_1 = arith.constant 102400 : i32
    %mul3A_2 = arith.muli %add3A, %mul3A_1 : i32
    %add3A_3 = arith.constant 0 : i32
    %add3A_4 = arith.addi %mul3A_2, %add3A_3 : i32
    "tpu.region"() ({
      %run_scoped3A = tpu.sem_alloc : memref<!tpu.dma_semaphore, #tpu.memory_space<semaphore_mem>>
      %dma_start3A_52 = tpu.memref_slice %arg3[%add3A_4] : memref<3276800xi32, #tpu.memory_space<hbm>> -> memref<400xi32, #tpu.memory_space<hbm>>
      %dma_start3A_53 = tpu.memref_slice %arg3[%add3A_4] : memref<3276800xi32, #tpu.memory_space<hbm>> -> memref<400xi32, #tpu.memory_space<hbm>>
      tpu.enqueue_dma source(%dma_start3A_53 : memref<400xi32, #tpu.memory_space<hbm>>) target(%arg5 : memref<400xi32, #tpu.memory_space<vmem>>) target_semaphore(%run_scoped3A : memref<!tpu.dma_semaphore, #tpu.memory_space<semaphore_mem>>)
      %dma_wait3A_54 = tpu.memref_slice %arg3[%add3A_4] : memref<3276800xi32, #tpu.memory_space<hbm>> -> memref<400xi32, #tpu.memory_space<hbm>>
      %dma_wait3A_55 = tpu.memref_slice %arg3[%add3A_4] : memref<3276800xi32, #tpu.memory_space<hbm>> -> memref<400xi32, #tpu.memory_space<hbm>>
      tpu.wait_dma2 semaphore(%run_scoped3A : memref<!tpu.dma_semaphore, #tpu.memory_space<semaphore_mem>>) src(%dma_wait3A_55 : memref<400xi32, #tpu.memory_space<hbm>>) dst(%arg5 : memref<400xi32, #tpu.memory_space<vmem>>)
      tpu.yield
    }) : () -> ()
    %dma_start3A = arith.constant 0 : i32
    %dma_start3A_5 = arith.constant 0 : i32
    %dma_start3A_6 = tpu.memref_slice %arg7[%dma_start3A, %dma_start3A_5] : memref<400x128xf32, #tpu.memory_space<vmem>> -> memref<128x128xf32, #tpu.memory_space<vmem>>
    %dma_start3A_7 = arith.constant 0 : i32
    %dma_start3A_8 = tpu.memref_slice %arg5[%dma_start3A_7] : memref<400xi32, #tpu.memory_space<vmem>> -> memref<128xi32, #tpu.memory_space<vmem>>
    %dma_start3A_9 = arith.constant 0 : i32
    %dma_start3A_10 = arith.constant 0 : i32
    %dma_start3A_11 = tpu.memref_slice %arg2[%dma_start3A_9, %dma_start3A_10] : memref<33024x128xf32, #tpu.memory_space<hbm>> -> memref<33024x128xf32, #tpu.memory_space<hbm>>
    tpu.enqueue_indirect_dma source(%dma_start3A_11 : memref<33024x128xf32, #tpu.memory_space<hbm>>) target(%dma_start3A_6 : memref<128x128xf32, #tpu.memory_space<vmem>>) offsets(%dma_start3A_8 : memref<128xi32, #tpu.memory_space<vmem>>) semaphore(%arg9 : memref<!tpu.dma_semaphore, #tpu.memory_space<semaphore_mem>>)
    %dma_start3A_12 = arith.constant 128 : i32
    %dma_start3A_13 = arith.constant 0 : i32
    %dma_start3A_14 = tpu.memref_slice %arg7[%dma_start3A_12, %dma_start3A_13] : memref<400x128xf32, #tpu.memory_space<vmem>> -> memref<128x128xf32, #tpu.memory_space<vmem>>
    %dma_start3A_15 = arith.constant 128 : i32
    %dma_start3A_16 = tpu.memref_slice %arg5[%dma_start3A_15] : memref<400xi32, #tpu.memory_space<vmem>> -> memref<128xi32, #tpu.memory_space<vmem>>
    %dma_start3A_17 = arith.constant 0 : i32
    %dma_start3A_18 = arith.constant 0 : i32
    %dma_start3A_19 = tpu.memref_slice %arg2[%dma_start3A_17, %dma_start3A_18] : memref<33024x128xf32, #tpu.memory_space<hbm>> -> memref<33024x128xf32, #tpu.memory_space<hbm>>
    tpu.enqueue_indirect_dma source(%dma_start3A_19 : memref<33024x128xf32, #tpu.memory_space<hbm>>) target(%dma_start3A_14 : memref<128x128xf32, #tpu.memory_space<vmem>>) offsets(%dma_start3A_16 : memref<128xi32, #tpu.memory_space<vmem>>) semaphore(%arg9 : memref<!tpu.dma_semaphore, #tpu.memory_space<semaphore_mem>>)
    %dma_start3A_20 = arith.constant 256 : i32
    %dma_start3A_21 = arith.constant 0 : i32
    %dma_start3A_22 = tpu.memref_slice %arg7[%dma_start3A_20, %dma_start3A_21] : memref<400x128xf32, #tpu.memory_space<vmem>> -> memref<128x128xf32, #tpu.memory_space<vmem>>
    %dma_start3A_23 = arith.constant 256 : i32
    %dma_start3A_24 = tpu.memref_slice %arg5[%dma_start3A_23] : memref<400xi32, #tpu.memory_space<vmem>> -> memref<128xi32, #tpu.memory_space<vmem>>
    %dma_start3A_25 = arith.constant 0 : i32
    %dma_start3A_26 = arith.constant 0 : i32
    %dma_start3A_27 = tpu.memref_slice %arg2[%dma_start3A_25, %dma_start3A_26] : memref<33024x128xf32, #tpu.memory_space<hbm>> -> memref<33024x128xf32, #tpu.memory_space<hbm>>
    tpu.enqueue_indirect_dma source(%dma_start3A_27 : memref<33024x128xf32, #tpu.memory_space<hbm>>) target(%dma_start3A_22 : memref<128x128xf32, #tpu.memory_space<vmem>>) offsets(%dma_start3A_24 : memref<128xi32, #tpu.memory_space<vmem>>) semaphore(%arg9 : memref<!tpu.dma_semaphore, #tpu.memory_space<semaphore_mem>>)
    %dma_start3A_28 = arith.constant 384 : i32
    %dma_start3A_29 = arith.constant 0 : i32
    %dma_start3A_30 = tpu.memref_slice %arg7[%dma_start3A_28, %dma_start3A_29] : memref<400x128xf32, #tpu.memory_space<vmem>> -> memref<16x128xf32, #tpu.memory_space<vmem>>
    %dma_start3A_31 = arith.constant 384 : i32
    %dma_start3A_32 = tpu.memref_slice %arg5[%dma_start3A_31] : memref<400xi32, #tpu.memory_space<vmem>> -> memref<16xi32, #tpu.memory_space<vmem>>
    %dma_start3A_33 = arith.constant 0 : i32
    %dma_start3A_34 = arith.constant 0 : i32
    %dma_start3A_35 = tpu.memref_slice %arg2[%dma_start3A_33, %dma_start3A_34] : memref<33024x128xf32, #tpu.memory_space<hbm>> -> memref<33024x128xf32, #tpu.memory_space<hbm>>
    tpu.enqueue_indirect_dma source(%dma_start3A_35 : memref<33024x128xf32, #tpu.memory_space<hbm>>) target(%dma_start3A_30 : memref<16x128xf32, #tpu.memory_space<vmem>>) offsets(%dma_start3A_32 : memref<16xi32, #tpu.memory_space<vmem>>) semaphore(%arg9 : memref<!tpu.dma_semaphore, #tpu.memory_space<semaphore_mem>>)
    %scan3A = arith.constant 0 : i32
    %scan3A_36 = arith.constant 0 : i32
    %scan3A_37 = arith.constant 128 : i32
    %scan3A_38 = arith.addi %scan3A_36, %scan3A_37 : i32
    %scan3A_39 = arith.constant 1 : i32
    scf.for %scan3A_52 = %scan3A_36 to %scan3A_38 step %scan3A_39  : i32 {
      %mul3A_53 = arith.constant 2 : i32
      %mul3A_54 = arith.muli %mul3A_53, %scan3A_52 : i32
      %gt3A = arith.constant 0 : i32
      %gt3A_55 = arith.cmpi sgt, %scan3A_52, %gt3A : i32
      %convert_element_type3A = arith.extui %gt3A_55 : i1 to i32
      %cond3A = arith.constant 0 : i32
      %cond3A_56 = arith.cmpi ne, %convert_element_type3A, %cond3A : i32
      scf.if %cond3A_56 {
        %dma_wait3A_126 = arith.constant 0 : i32
        %dma_wait3A_127 = arith.constant 0 : i32
        %dma_wait3A_128 = tpu.memref_slice %arg4[%dma_wait3A_126, %dma_wait3A_127] : memref<3276800x128xf32, #tpu.memory_space<hbm>> -> memref<400x128xf32, #tpu.memory_space<hbm>>
        %dma_wait3A_129 = arith.constant 0 : i32
        %dma_wait3A_130 = arith.constant 0 : i32
        %dma_wait3A_131 = tpu.memref_slice %arg4[%dma_wait3A_129, %dma_wait3A_130] : memref<3276800x128xf32, #tpu.memory_space<hbm>> -> memref<400x128xf32, #tpu.memory_space<hbm>>
        tpu.wait_dma2 semaphore(%arg12 : memref<!tpu.dma_semaphore, #tpu.memory_space<semaphore_mem>>) src(%arg8 : memref<400x128xf32, #tpu.memory_space<vmem>>) dst(%dma_wait3A_131 : memref<400x128xf32, #tpu.memory_space<hbm>>)
      } else {
      }
      %add3A_57 = arith.constant 1 : i32
      %add3A_58 = arith.addi %mul3A_54, %add3A_57 : i32
      %mul3A_59 = arith.constant 400 : i32
      %mul3A_60 = arith.muli %add3A_58, %mul3A_59 : i32
      %add3A_61 = arith.addi %mul3A_2, %mul3A_60 : i32
      "tpu.region"() ({
        %run_scoped3A = tpu.sem_alloc : memref<!tpu.dma_semaphore, #tpu.memory_space<semaphore_mem>>
        %dma_start3A_126 = tpu.memref_slice %arg3[%add3A_61] : memref<3276800xi32, #tpu.memory_space<hbm>> -> memref<400xi32, #tpu.memory_space<hbm>>
        %dma_start3A_127 = tpu.memref_slice %arg3[%add3A_61] : memref<3276800xi32, #tpu.memory_space<hbm>> -> memref<400xi32, #tpu.memory_space<hbm>>
        tpu.enqueue_dma source(%dma_start3A_127 : memref<400xi32, #tpu.memory_space<hbm>>) target(%arg6 : memref<400xi32, #tpu.memory_space<vmem>>) target_semaphore(%run_scoped3A : memref<!tpu.dma_semaphore, #tpu.memory_space<semaphore_mem>>)
        %dma_wait3A_128 = tpu.memref_slice %arg3[%add3A_61] : memref<3276800xi32, #tpu.memory_space<hbm>> -> memref<400xi32, #tpu.memory_space<hbm>>
        %dma_wait3A_129 = tpu.memref_slice %arg3[%add3A_61] : memref<3276800xi32, #tpu.memory_space<hbm>> -> memref<400xi32, #tpu.memory_space<hbm>>
        tpu.wait_dma2 semaphore(%run_scoped3A : memref<!tpu.dma_semaphore, #tpu.memory_space<semaphore_mem>>) src(%dma_wait3A_129 : memref<400xi32, #tpu.memory_space<hbm>>) dst(%arg6 : memref<400xi32, #tpu.memory_space<vmem>>)
        tpu.yield
      }) : () -> ()
      %dma_start3A_62 = arith.constant 0 : i32
      %dma_start3A_63 = arith.constant 0 : i32
      %dma_start3A_64 = tpu.memref_slice %arg8[%dma_start3A_62, %dma_start3A_63] : memref<400x128xf32, #tpu.memory_space<vmem>> -> memref<128x128xf32, #tpu.memory_space<vmem>>
      %dma_start3A_65 = arith.constant 0 : i32
      %dma_start3A_66 = tpu.memref_slice %arg6[%dma_start3A_65] : memref<400xi32, #tpu.memory_space<vmem>> -> memref<128xi32, #tpu.memory_space<vmem>>
      %dma_start3A_67 = arith.constant 0 : i32
      %dma_start3A_68 = arith.constant 0 : i32
      %dma_start3A_69 = tpu.memref_slice %arg2[%dma_start3A_67, %dma_start3A_68] : memref<33024x128xf32, #tpu.memory_space<hbm>> -> memref<33024x128xf32, #tpu.memory_space<hbm>>
      tpu.enqueue_indirect_dma source(%dma_start3A_69 : memref<33024x128xf32, #tpu.memory_space<hbm>>) target(%dma_start3A_64 : memref<128x128xf32, #tpu.memory_space<vmem>>) offsets(%dma_start3A_66 : memref<128xi32, #tpu.memory_space<vmem>>) semaphore(%arg10 : memref<!tpu.dma_semaphore, #tpu.memory_space<semaphore_mem>>)
      %dma_start3A_70 = arith.constant 128 : i32
      %dma_start3A_71 = arith.constant 0 : i32
      %dma_start3A_72 = tpu.memref_slice %arg8[%dma_start3A_70, %dma_start3A_71] : memref<400x128xf32, #tpu.memory_space<vmem>> -> memref<128x128xf32, #tpu.memory_space<vmem>>
      %dma_start3A_73 = arith.constant 128 : i32
      %dma_start3A_74 = tpu.memref_slice %arg6[%dma_start3A_73] : memref<400xi32, #tpu.memory_space<vmem>> -> memref<128xi32, #tpu.memory_space<vmem>>
      %dma_start3A_75 = arith.constant 0 : i32
      %dma_start3A_76 = arith.constant 0 : i32
      %dma_start3A_77 = tpu.memref_slice %arg2[%dma_start3A_75, %dma_start3A_76] : memref<33024x128xf32, #tpu.memory_space<hbm>> -> memref<33024x128xf32, #tpu.memory_space<hbm>>
      tpu.enqueue_indirect_dma source(%dma_start3A_77 : memref<33024x128xf32, #tpu.memory_space<hbm>>) target(%dma_start3A_72 : memref<128x128xf32, #tpu.memory_space<vmem>>) offsets(%dma_start3A_74 : memref<128xi32, #tpu.memory_space<vmem>>) semaphore(%arg10 : memref<!tpu.dma_semaphore, #tpu.memory_space<semaphore_mem>>)
      %dma_start3A_78 = arith.constant 256 : i32
      %dma_start3A_79 = arith.constant 0 : i32
      %dma_start3A_80 = tpu.memref_slice %arg8[%dma_start3A_78, %dma_start3A_79] : memref<400x128xf32, #tpu.memory_space<vmem>> -> memref<128x128xf32, #tpu.memory_space<vmem>>
      %dma_start3A_81 = arith.constant 256 : i32
      %dma_start3A_82 = tpu.memref_slice %arg6[%dma_start3A_81] : memref<400xi32, #tpu.memory_space<vmem>> -> memref<128xi32, #tpu.memory_space<vmem>>
      %dma_start3A_83 = arith.constant 0 : i32
      %dma_start3A_84 = arith.constant 0 : i32
      %dma_start3A_85 = tpu.memref_slice %arg2[%dma_start3A_83, %dma_start3A_84] : memref<33024x128xf32, #tpu.memory_space<hbm>> -> memref<33024x128xf32, #tpu.memory_space<hbm>>
      tpu.enqueue_indirect_dma source(%dma_start3A_85 : memref<33024x128xf32, #tpu.memory_space<hbm>>) target(%dma_start3A_80 : memref<128x128xf32, #tpu.memory_space<vmem>>) offsets(%dma_start3A_82 : memref<128xi32, #tpu.memory_space<vmem>>) semaphore(%arg10 : memref<!tpu.dma_semaphore, #tpu.memory_space<semaphore_mem>>)
      %dma_start3A_86 = arith.constant 384 : i32
      %dma_start3A_87 = arith.constant 0 : i32
      %dma_start3A_88 = tpu.memref_slice %arg8[%dma_start3A_86, %dma_start3A_87] : memref<400x128xf32, #tpu.memory_space<vmem>> -> memref<16x128xf32, #tpu.memory_space<vmem>>
      %dma_start3A_89 = arith.constant 384 : i32
      %dma_start3A_90 = tpu.memref_slice %arg6[%dma_start3A_89] : memref<400xi32, #tpu.memory_space<vmem>> -> memref<16xi32, #tpu.memory_space<vmem>>
      %dma_start3A_91 = arith.constant 0 : i32
      %dma_start3A_92 = arith.constant 0 : i32
      %dma_start3A_93 = tpu.memref_slice %arg2[%dma_start3A_91, %dma_start3A_92] : memref<33024x128xf32, #tpu.memory_space<hbm>> -> memref<33024x128xf32, #tpu.memory_space<hbm>>
      tpu.enqueue_indirect_dma source(%dma_start3A_93 : memref<33024x128xf32, #tpu.memory_space<hbm>>) target(%dma_start3A_88 : memref<16x128xf32, #tpu.memory_space<vmem>>) offsets(%dma_start3A_90 : memref<16xi32, #tpu.memory_space<vmem>>) semaphore(%arg10 : memref<!tpu.dma_semaphore, #tpu.memory_space<semaphore_mem>>)
      %dma_wait3A_94 = arith.constant 0 : i32
      %dma_wait3A_95 = arith.constant 0 : i32
      %dma_wait3A_96 = tpu.memref_slice %arg4[%dma_wait3A_94, %dma_wait3A_95] : memref<3276800x128xf32, #tpu.memory_space<hbm>> -> memref<400x128xf32, #tpu.memory_space<hbm>>
      %dma_wait3A_97 = arith.constant 0 : i32
      %dma_wait3A_98 = arith.constant 0 : i32
      %dma_wait3A_99 = tpu.memref_slice %arg4[%dma_wait3A_97, %dma_wait3A_98] : memref<3276800x128xf32, #tpu.memory_space<hbm>> -> memref<400x128xf32, #tpu.memory_space<hbm>>
      tpu.wait_dma2 semaphore(%arg9 : memref<!tpu.dma_semaphore, #tpu.memory_space<semaphore_mem>>) src(%dma_wait3A_99 : memref<400x128xf32, #tpu.memory_space<hbm>>) dst(%arg7 : memref<400x128xf32, #tpu.memory_space<vmem>>)
      %mul3A_100 = arith.constant 400 : i32
      %mul3A_101 = arith.muli %mul3A_54, %mul3A_100 : i32
      %add3A_102 = arith.addi %mul3A_2, %mul3A_101 : i32
      %dma_start3A_103 = arith.constant 0 : i32
      %dma_start3A_104 = tpu.memref_slice %arg4[%add3A_102, %dma_start3A_103] : memref<3276800x128xf32, #tpu.memory_space<hbm>> -> memref<400x128xf32, #tpu.memory_space<hbm>>
      %dma_start3A_105 = arith.constant 0 : i32
      %dma_start3A_106 = tpu.memref_slice %arg4[%add3A_102, %dma_start3A_105] : memref<3276800x128xf32, #tpu.memory_space<hbm>> -> memref<400x128xf32, #tpu.memory_space<hbm>>
      tpu.enqueue_dma source(%arg7 : memref<400x128xf32, #tpu.memory_space<vmem>>) target(%dma_start3A_106 : memref<400x128xf32, #tpu.memory_space<hbm>>) target_semaphore(%arg11 : memref<!tpu.dma_semaphore, #tpu.memory_space<semaphore_mem>>)
      %lt3A = arith.constant 127 : i32
      %lt3A_107 = arith.cmpi slt, %scan3A_52, %lt3A : i32
      %convert_element_type3A_108 = arith.extui %lt3A_107 : i1 to i32
      %cond3A_109 = arith.constant 0 : i32
      %cond3A_110 = arith.cmpi ne, %convert_element_type3A_108, %cond3A_109 : i32
      scf.if %cond3A_110 {
        %dma_wait3A_126 = arith.constant 0 : i32
        %dma_wait3A_127 = arith.constant 0 : i32
        %dma_wait3A_128 = tpu.memref_slice %arg4[%dma_wait3A_126, %dma_wait3A_127] : memref<3276800x128xf32, #tpu.memory_space<hbm>> -> memref<400x128xf32, #tpu.memory_space<hbm>>
        %dma_wait3A_129 = arith.constant 0 : i32
        %dma_wait3A_130 = arith.constant 0 : i32
        %dma_wait3A_131 = tpu.memref_slice %arg4[%dma_wait3A_129, %dma_wait3A_130] : memref<3276800x128xf32, #tpu.memory_space<hbm>> -> memref<400x128xf32, #tpu.memory_space<hbm>>
        tpu.wait_dma2 semaphore(%arg11 : memref<!tpu.dma_semaphore, #tpu.memory_space<semaphore_mem>>) src(%arg7 : memref<400x128xf32, #tpu.memory_space<vmem>>) dst(%dma_wait3A_131 : memref<400x128xf32, #tpu.memory_space<hbm>>)
        %add3A_132 = arith.constant 2 : i32
        %add3A_133 = arith.addi %mul3A_54, %add3A_132 : i32
        %mul3A_134 = arith.constant 400 : i32
        %mul3A_135 = arith.muli %add3A_133, %mul3A_134 : i32
        %add3A_136 = arith.addi %mul3A_2, %mul3A_135 : i32
        "tpu.region"() ({
          %run_scoped3A = tpu.sem_alloc : memref<!tpu.dma_semaphore, #tpu.memory_space<semaphore_mem>>
          %dma_start3A_169 = tpu.memref_slice %arg3[%add3A_136] : memref<3276800xi32, #tpu.memory_space<hbm>> -> memref<400xi32, #tpu.memory_space<hbm>>
          %dma_start3A_170 = tpu.memref_slice %arg3[%add3A_136] : memref<3276800xi32, #tpu.memory_space<hbm>> -> memref<400xi32, #tpu.memory_space<hbm>>
          tpu.enqueue_dma source(%dma_start3A_170 : memref<400xi32, #tpu.memory_space<hbm>>) target(%arg5 : memref<400xi32, #tpu.memory_space<vmem>>) target_semaphore(%run_scoped3A : memref<!tpu.dma_semaphore, #tpu.memory_space<semaphore_mem>>)
          %dma_wait3A_171 = tpu.memref_slice %arg3[%add3A_136] : memref<3276800xi32, #tpu.memory_space<hbm>> -> memref<400xi32, #tpu.memory_space<hbm>>
          %dma_wait3A_172 = tpu.memref_slice %arg3[%add3A_136] : memref<3276800xi32, #tpu.memory_space<hbm>> -> memref<400xi32, #tpu.memory_space<hbm>>
          tpu.wait_dma2 semaphore(%run_scoped3A : memref<!tpu.dma_semaphore, #tpu.memory_space<semaphore_mem>>) src(%dma_wait3A_172 : memref<400xi32, #tpu.memory_space<hbm>>) dst(%arg5 : memref<400xi32, #tpu.memory_space<vmem>>)
          tpu.yield
        }) : () -> ()
        %dma_start3A_137 = arith.constant 0 : i32
        %dma_start3A_138 = arith.constant 0 : i32
        %dma_start3A_139 = tpu.memref_slice %arg7[%dma_start3A_137, %dma_start3A_138] : memref<400x128xf32, #tpu.memory_space<vmem>> -> memref<128x128xf32, #tpu.memory_space<vmem>>
        %dma_start3A_140 = arith.constant 0 : i32
        %dma_start3A_141 = tpu.memref_slice %arg5[%dma_start3A_140] : memref<400xi32, #tpu.memory_space<vmem>> -> memref<128xi32, #tpu.memory_space<vmem>>
        %dma_start3A_142 = arith.constant 0 : i32
        %dma_start3A_143 = arith.constant 0 : i32
        %dma_start3A_144 = tpu.memref_slice %arg2[%dma_start3A_142, %dma_start3A_143] : memref<33024x128xf32, #tpu.memory_space<hbm>> -> memref<33024x128xf32, #tpu.memory_space<hbm>>
        tpu.enqueue_indirect_dma source(%dma_start3A_144 : memref<33024x128xf32, #tpu.memory_space<hbm>>) target(%dma_start3A_139 : memref<128x128xf32, #tpu.memory_space<vmem>>) offsets(%dma_start3A_141 : memref<128xi32, #tpu.memory_space<vmem>>) semaphore(%arg9 : memref<!tpu.dma_semaphore, #tpu.memory_space<semaphore_mem>>)
        %dma_start3A_145 = arith.constant 128 : i32
        %dma_start3A_146 = arith.constant 0 : i32
        %dma_start3A_147 = tpu.memref_slice %arg7[%dma_start3A_145, %dma_start3A_146] : memref<400x128xf32, #tpu.memory_space<vmem>> -> memref<128x128xf32, #tpu.memory_space<vmem>>
        %dma_start3A_148 = arith.constant 128 : i32
        %dma_start3A_149 = tpu.memref_slice %arg5[%dma_start3A_148] : memref<400xi32, #tpu.memory_space<vmem>> -> memref<128xi32, #tpu.memory_space<vmem>>
        %dma_start3A_150 = arith.constant 0 : i32
        %dma_start3A_151 = arith.constant 0 : i32
        %dma_start3A_152 = tpu.memref_slice %arg2[%dma_start3A_150, %dma_start3A_151] : memref<33024x128xf32, #tpu.memory_space<hbm>> -> memref<33024x128xf32, #tpu.memory_space<hbm>>
        tpu.enqueue_indirect_dma source(%dma_start3A_152 : memref<33024x128xf32, #tpu.memory_space<hbm>>) target(%dma_start3A_147 : memref<128x128xf32, #tpu.memory_space<vmem>>) offsets(%dma_start3A_149 : memref<128xi32, #tpu.memory_space<vmem>>) semaphore(%arg9 : memref<!tpu.dma_semaphore, #tpu.memory_space<semaphore_mem>>)
        %dma_start3A_153 = arith.constant 256 : i32
        %dma_start3A_154 = arith.constant 0 : i32
        %dma_start3A_155 = tpu.memref_slice %arg7[%dma_start3A_153, %dma_start3A_154] : memref<400x128xf32, #tpu.memory_space<vmem>> -> memref<128x128xf32, #tpu.memory_space<vmem>>
        %dma_start3A_156 = arith.constant 256 : i32
        %dma_start3A_157 = tpu.memref_slice %arg5[%dma_start3A_156] : memref<400xi32, #tpu.memory_space<vmem>> -> memref<128xi32, #tpu.memory_space<vmem>>
        %dma_start3A_158 = arith.constant 0 : i32
        %dma_start3A_159 = arith.constant 0 : i32
        %dma_start3A_160 = tpu.memref_slice %arg2[%dma_start3A_158, %dma_start3A_159] : memref<33024x128xf32, #tpu.memory_space<hbm>> -> memref<33024x128xf32, #tpu.memory_space<hbm>>
        tpu.enqueue_indirect_dma source(%dma_start3A_160 : memref<33024x128xf32, #tpu.memory_space<hbm>>) target(%dma_start3A_155 : memref<128x128xf32, #tpu.memory_space<vmem>>) offsets(%dma_start3A_157 : memref<128xi32, #tpu.memory_space<vmem>>) semaphore(%arg9 : memref<!tpu.dma_semaphore, #tpu.memory_space<semaphore_mem>>)
        %dma_start3A_161 = arith.constant 384 : i32
        %dma_start3A_162 = arith.constant 0 : i32
        %dma_start3A_163 = tpu.memref_slice %arg7[%dma_start3A_161, %dma_start3A_162] : memref<400x128xf32, #tpu.memory_space<vmem>> -> memref<16x128xf32, #tpu.memory_space<vmem>>
        %dma_start3A_164 = arith.constant 384 : i32
        %dma_start3A_165 = tpu.memref_slice %arg5[%dma_start3A_164] : memref<400xi32, #tpu.memory_space<vmem>> -> memref<16xi32, #tpu.memory_space<vmem>>
        %dma_start3A_166 = arith.constant 0 : i32
        %dma_start3A_167 = arith.constant 0 : i32
        %dma_start3A_168 = tpu.memref_slice %arg2[%dma_start3A_166, %dma_start3A_167] : memref<33024x128xf32, #tpu.memory_space<hbm>> -> memref<33024x128xf32, #tpu.memory_space<hbm>>
        tpu.enqueue_indirect_dma source(%dma_start3A_168 : memref<33024x128xf32, #tpu.memory_space<hbm>>) target(%dma_start3A_163 : memref<16x128xf32, #tpu.memory_space<vmem>>) offsets(%dma_start3A_165 : memref<16xi32, #tpu.memory_space<vmem>>) semaphore(%arg9 : memref<!tpu.dma_semaphore, #tpu.memory_space<semaphore_mem>>)
      } else {
      }
      %dma_wait3A_111 = arith.constant 0 : i32
      %dma_wait3A_112 = arith.constant 0 : i32
      %dma_wait3A_113 = tpu.memref_slice %arg4[%dma_wait3A_111, %dma_wait3A_112] : memref<3276800x128xf32, #tpu.memory_space<hbm>> -> memref<400x128xf32, #tpu.memory_space<hbm>>
      %dma_wait3A_114 = arith.constant 0 : i32
      %dma_wait3A_115 = arith.constant 0 : i32
      %dma_wait3A_116 = tpu.memref_slice %arg4[%dma_wait3A_114, %dma_wait3A_115] : memref<3276800x128xf32, #tpu.memory_space<hbm>> -> memref<400x128xf32, #tpu.memory_space<hbm>>
      tpu.wait_dma2 semaphore(%arg10 : memref<!tpu.dma_semaphore, #tpu.memory_space<semaphore_mem>>) src(%dma_wait3A_116 : memref<400x128xf32, #tpu.memory_space<hbm>>) dst(%arg8 : memref<400x128xf32, #tpu.memory_space<vmem>>)
      %add3A_117 = arith.constant 1 : i32
      %add3A_118 = arith.addi %mul3A_54, %add3A_117 : i32
      %mul3A_119 = arith.constant 400 : i32
      %mul3A_120 = arith.muli %add3A_118, %mul3A_119 : i32
      %add3A_121 = arith.addi %mul3A_2, %mul3A_120 : i32
      %dma_start3A_122 = arith.constant 0 : i32
      %dma_start3A_123 = tpu.memref_slice %arg4[%add3A_121, %dma_start3A_122] : memref<3276800x128xf32, #tpu.memory_space<hbm>> -> memref<400x128xf32, #tpu.memory_space<hbm>>
      %dma_start3A_124 = arith.constant 0 : i32
      %dma_start3A_125 = tpu.memref_slice %arg4[%add3A_121, %dma_start3A_124] : memref<3276800x128xf32, #tpu.memory_space<hbm>> -> memref<400x128xf32, #tpu.memory_space<hbm>>
      tpu.enqueue_dma source(%arg8 : memref<400x128xf32, #tpu.memory_space<vmem>>) target(%dma_start3A_125 : memref<400x128xf32, #tpu.memory_space<hbm>>) target_semaphore(%arg12 : memref<!tpu.dma_semaphore, #tpu.memory_space<semaphore_mem>>)
    }
    %scan3A_40 = arith.constant 128 : i32
    %dma_wait3A = arith.constant 0 : i32
    %dma_wait3A_41 = arith.constant 0 : i32
    %dma_wait3A_42 = tpu.memref_slice %arg4[%dma_wait3A, %dma_wait3A_41] : memref<3276800x128xf32, #tpu.memory_space<hbm>> -> memref<400x128xf32, #tpu.memory_space<hbm>>
    %dma_wait3A_43 = arith.constant 0 : i32
    %dma_wait3A_44 = arith.constant 0 : i32
    %dma_wait3A_45 = tpu.memref_slice %arg4[%dma_wait3A_43, %dma_wait3A_44] : memref<3276800x128xf32, #tpu.memory_space<hbm>> -> memref<400x128xf32, #tpu.memory_space<hbm>>
    tpu.wait_dma2 semaphore(%arg11 : memref<!tpu.dma_semaphore, #tpu.memory_space<semaphore_mem>>) src(%arg7 : memref<400x128xf32, #tpu.memory_space<vmem>>) dst(%dma_wait3A_45 : memref<400x128xf32, #tpu.memory_space<hbm>>)
    %dma_wait3A_46 = arith.constant 0 : i32
    %dma_wait3A_47 = arith.constant 0 : i32
    %dma_wait3A_48 = tpu.memref_slice %arg4[%dma_wait3A_46, %dma_wait3A_47] : memref<3276800x128xf32, #tpu.memory_space<hbm>> -> memref<400x128xf32, #tpu.memory_space<hbm>>
    %dma_wait3A_49 = arith.constant 0 : i32
    %dma_wait3A_50 = arith.constant 0 : i32
    %dma_wait3A_51 = tpu.memref_slice %arg4[%dma_wait3A_49, %dma_wait3A_50] : memref<3276800x128xf32, #tpu.memory_space<hbm>> -> memref<400x128xf32, #tpu.memory_space<hbm>>
    tpu.wait_dma2 semaphore(%arg12 : memref<!tpu.dma_semaphore, #tpu.memory_space<semaphore_mem>>) src(%arg8 : memref<400x128xf32, #tpu.memory_space<vmem>>) dst(%dma_wait3A_51 : memref<400x128xf32, #tpu.memory_space<hbm>>)
    return
  }
}

</mosaic_0001>

<sc_bundles>
// kernel: _sc_embedding_gather.3.cloned.1.call-start
scs
__scs_entry_jumppad:
0x0: {  	(pc) =	sbr.rel $0x88, $3  }
0x1: {  	(tag) =	ssettag $0x0;
	lr =	simm.s32 $0x1  }
0x2: {  	[smem:$0x3F9F] =	sst lr;
	_ =	strace $0xD0000000  }
0x3: {  	_ = 	snop  }
0x4: {  	_ = 	snop  }
0x5: {  	_ = 	snop  }
0x6: {  	_ = 	snop  }
0x7: {  	_ = 	snop  }
__scs_overlays_trampoline_lowered:
0x8: {  	[smem:$0x3FAE] =	sst s0  }
0x9: {  	[smem:$0x3FAF] =	sst s1  }
0xa: {  	[smem:$0x3FB0] =	sst s2  }
0xb: {  	[smem:$0x3FB1] =	sst s3  }
0xc: {  	[smem:$0x3FB2] =	sst s4  }
0xd: {  	[smem:$0x3FB3] =	sst s5  }
0xe: {  	[smem:$0x3FB4] =	sst s6  }
0xf: {  	[smem:$0x3FB5] =	sst s7  }
0x10: {  	[smem:$0x3FB6] =	sst s8  }
0x11: {  	[smem:$0x3FB7] =	sst s9;
	s0 =	simm.s32 @!p0 $0x0  }
0x12: {  	s1 =	sld [smem:$0x3F9D];
	s0 =	simm.s32 @p0 $0x1  }
0x13: {  	[smem:$0x3FB8] =	sst s0;
	s0 =	simm.s32 @!p1 $0x0  }
0x14: {  	s2 =	sld [smem:$0x3F9C];
	s0 =	simm.s32 @p1 $0x1  }
0x15: {  	[smem:$0x3FB9] =	sst s0;
	s0 =	simm.s32 @!p2 $0x0  }
0x16: {  	s3 =	sld [smem:$0x3FDB];
	s0 =	simm.s32 @p2 $0x1  }
0x17: {  	s4 =	simm.s32 $0x1BF5;
	[smem:$0x3FBB] =	sst s0  }
0x18: {  	s0 =	sld [smem:$0x3F9E];
	_ =	swait.ge [sflag:s4], $0x0  }
0x19: {  	s7 =	sld [smem:$0x3F9F]  }
0x1a: {  	s8 =	sadd.s32 $0xFFFFE003, lr  }
0x1b: {  	s9 =	sadd.s32 $0xFFFFFEF7, lr;
	s5 =	simm.s32 $0xFFFFFFFF;
	p2 =	slt.u32 s8, $0xFFFFF086  }
0x1c: {  	p1 =	slt.u32 s9, $0xF7A;
	s5 =	simm.s32 @!p2 $0x0  }
0x1d: {  	s5 =	simm.s32 @p1 $0x1;
	p0 =	seq.s32 s7, s2  }
0x1e: {  	s7 =	smul.u32 @!p0 $0xF7A, s2;
	p2 =	seq.s32 @!p0 s5, $0x0  }
0x1f: {  	s9 =	smul.u32 $0xF7A, s1;
	s8 =	simm.s32 @!p0 $0x1BF5;
	p2 =	por !p2, p0  }
0x20: {  	[sflag:s8] =	ssyncset.s32 @!p0 $0xFFFFF086;
	s6 =	sadd.s32 @!p0 s3, s7;
	s7 =	simm.s32 @!p0 $0x108  }
0x21: {  	s3 =	sadd.s32 s3, s9;
	s6 =	sadd.s32 @!p0 $0x88, s6;
	s7 =	simm.s32 @p2 $0x1082  }
0x22: {  	[simem:s7], [sflag:s8] =	dma.local @!p0 [hbm:s6], $0xF7A  }
0x23: {  	s9 =	sor.u32 $0xD0000000, s2;
	s6 =	simm.s32 $0x108;
	_ =	swait.ge @!p0 [sflag:s8], $0x0  }
0x24: {  	s3 =	sadd.s32 $0x88, s3;
	s6 =	simm.s32 @!p1 $0x1082;
	[sflag:s4] =	ssyncset.s32 $0xFFFFF086  }
0x25: {  	[simem:s6], [sflag:s4] =	dma.local [hbm:s3], $0xF7A  }
0x26: {  	[smem:$0x3F9F] =	sst s1;
	(tag) =	ssettag s2;
	_ =	strace s9  }
0x27: {  	s1 =	sld [smem:$0x3FAF]  }
0x28: {  	s2 =	sld [smem:$0x3FB0]  }
0x29: {  	s4 =	sld [smem:$0x3FB2]  }
0x2a: {  	p0 =	seq.s32 s5, $0x0;
	s5 =	sld [smem:$0x3FB3]  }
0x2b: {  	s6 =	sld [smem:$0x3FB4]  }
0x2c: {  	s7 =	sld [smem:$0x3FB5]  }
0x2d: {  	s3 =	simm.s32 $0x108;
	s8 =	sld [smem:$0x3FB6]  }
0x2e: {  	s3 =	simm.s32 @!p0 $0x1082;
	s9 =	sld [smem:$0x3FB7]  }
0x2f: {  	lr =	sadd.s32 s0, s3;
	s0 =	sld [smem:$0x3FAE]  }
0x30: {  	s3 =	sld [smem:$0x3FB1]  }
0x31: {  	[smem:$0x3FBA] =	sst s10  }
0x32: {  	s10 =	sld [smem:$0x3FB8];
	_ =	sdelay $0x3  }
0x33: {  	p0 =	seq.s32 s10, $0x1;
	s10 =	sld [smem:$0x3FBA];
	_ =	sdelay $0x3  }
0x34: {  	[smem:$0x3FBA] =	sst s10  }
0x35: {  	s10 =	sld [smem:$0x3FB9];
	_ =	sdelay $0x3  }
0x36: {  	p1 =	seq.s32 s10, $0x1;
	s10 =	sld [smem:$0x3FBA];
	_ =	sdelay $0x3  }
0x37: {  	[smem:$0x3FBA] =	sst s10  }
0x38: {  	s10 =	sld [smem:$0x3FBB]  }
0x39: {  	_ = 	snop;
	(pc) =	sbr.ind lr, $3  }
0x3a: {  	_ = 	snop  }
0x3b: {  	_ = 	snop  }
0x3c: {  	p2 =	seq.s32 s10, $0x1;
	s10 =	sld [smem:$0x3FBA]  }
0x3d: {  	_ =	shalt  }
0x3e: {  	_ =	shalt  }
0x3f: {  	_ =	shalt  }
0x40: {  	_ =	shalt  }
0x41: {  	_ =	shalt  }
0x42: {  	_ =	shalt  }
0x43: {  	_ =	shalt  }
0x44: {  	_ =	shalt  }
0x45: {  	_ =	shalt  }
0x46: {  	_ =	shalt  }
0x47: {  	_ =	shalt  }
0x48: {  	_ =	shalt  }
0x49: {  	_ =	shalt  }
0x4a: {  	_ =	shalt  }
0x4b: {  	_ =	shalt  }
0x4c: {  	_ =	shalt  }
0x4d: {  	_ =	shalt  }
0x4e: {  	_ =	shalt  }
0x4f: {  	_ =	shalt  }
0x50: {  	_ =	shalt  }
0x51: {  	_ =	shalt  }
0x52: {  	_ =	shalt  }
0x53: {  	_ =	shalt  }
0x54: {  	_ =	shalt  }
0x55: {  	_ =	shalt  }
0x56: {  	_ =	shalt  }
0x57: {  	_ =	shalt  }
0x58: {  	_ =	shalt  }
0x59: {  	_ =	shalt  }
0x5a: {  	_ =	shalt  }
0x5b: {  	_ =	shalt  }
0x5c: {  	_ =	shalt  }
0x5d: {  	_ =	shalt  }
0x5e: {  	_ =	shalt  }
0x5f: {  	_ =	shalt  }
0x60: {  	_ =	shalt  }
0x61: {  	_ =	shalt  }
0x62: {  	_ =	shalt  }
0x63: {  	_ =	shalt  }
0x64: {  	_ =	shalt  }
0x65: {  	_ =	shalt  }
0x66: {  	_ =	shalt  }
0x67: {  	_ =	shalt  }
0x68: {  	_ =	shalt  }
0x69: {  	_ =	shalt  }
0x6a: {  	_ =	shalt  }
0x6b: {  	_ =	shalt  }
0x6c: {  	_ =	shalt  }
0x6d: {  	_ =	shalt  }
0x6e: {  	_ =	shalt  }
0x6f: {  	_ =	shalt  }
0x70: {  	_ =	shalt  }
0x71: {  	_ =	shalt  }
0x72: {  	_ =	shalt  }
0x73: {  	_ =	shalt  }
0x74: {  	_ =	shalt  }
0x75: {  	_ =	shalt  }
0x76: {  	_ =	shalt  }
0x77: {  	_ =	shalt  }
0x78: {  	_ =	shalt  }
0x79: {  	_ =	shalt  }
0x7a: {  	_ =	shalt  }
0x7b: {  	_ =	shalt  }
0x7c: {  	_ =	shalt  }
0x7d: {  	_ =	shalt  }
0x7e: {  	_ =	shalt  }
0x7f: {  	_ =	shalt  }
0x80: {  	_ =	shalt  }
0x81: {  	_ =	shalt  }
0x82: {  	_ =	shalt  }
0x83: {  	_ =	shalt  }
0x84: {  	_ =	shalt  }
0x85: {  	_ =	shalt  }
0x86: {  	_ =	shalt  }
0x87: {  	_ =	shalt  }
.Lfunc_end0:
.L_simem_size_0:
called_computation_lowered:
.L_overlay_start_0:
0x88: {  	s2 =	sld [smem:$0x3FD9]  }
0x89: {  	s3 =	sld [smem:$0x3FFE];
	_ =	sdelay $0x1  }
0x8a: {  	s1 =	srdreg.scid  }
0x8b: {  	s0 =	sand.u32 $0x1, s1  }
0x8c: {  	s18 =	sshll.u32 s0, $0xA;
	s2 =	sadd.s32 s3, s2  }
0x8d: {  	s2 =	sadd.s32 s2, s18  }
0x8e: {  	[smem:$0x3FC6] =	sst s2  }
0x8f: {  	_ = 	snop  }
0x90: {  	s2 =	sld [smem:$0x3FC9]  }
0x91: {  	s19 =	sld [smem:$0x3FC8]  }
0x92: {  	s4 =	sld [smem:$0x3FD0];
	(tm) =	ssettm $0x1  }
0x93: {  	s5 =	sld [smem:$0x3FFB];
	_ =	sdelay $0x3  }
0x94: {  	_ =	strace s5  }
0x95: {  	s5 =	sld [smem:$0x3FFC];
	_ =	sdelay $0x3  }
0x96: {  	_ =	strace s5  }
0x97: {  	s5 =	sld [smem:$0x3FFD];
	_ =	sdelay $0x3  }
0x98: {  	_ =	strace s5  }
0x99: {  	_ =	strace $0x8FFFFFFF  }
0x9a: {  	s20 =	sld [smem:$0x3FDB];
	_ =	sdelay $0x1  }
0x9b: {  	s6 =	simm.s32 $_scs_section_size  }
0x9c: {  	s7 =	simm.s32 $_size__tile_overlayer_lowered;
	s8 =	simm.s32 $_tile_overlayer_lowered  }
0x9d: {  	s23 =	simm.s32 $0x1BFF;
	s22 =	sshll.u32 s8, $0x1;
	s5 =	sadd.s32 s6, s20  }
0x9e: {  	s9 =	simm.s32 $0x0;
	s21 =	sshll.u32 s7, $0x1;
	s7 =	sadd.s32 s22, s5  }
0x9f: {  	[timem:s9], [sflag:s23] =	dma.local [hbm:s7], s21  }
0xa0: {  	_ =	swait.ge [sflag:s23], s21  }
0xa1: {  	s6 =	ssub.s32 $0x0, s21;
	[sflag:s23] =	ssyncset.done $0x0  }
0xa2: {  	[sflag:s23] =	ssyncadd.s32 s6;
	_ =	sdelay $0x1  }
0xa3: {  	s24 =	simm.s32 $0x1B8B  }
0xa4: {  	_ =	swait.ge [sflag:s24], $0x1  }
0xa5: {  	[sflag:s24] =	ssyncset.done $0x0  }
0xa6: {  	s25 =	simm.s32 $0x1B8E;
	[sflag:s24] =	ssyncadd.s32 $0xFFFFFFFF  }
0xa7: {  	s26 =	simm.s32 $execute0_lowered;
	[smem:$0x3FD2] =	sst s25  }
0xa8: {  	s6 =	sshll.u32 s26, $0x1;
	_ =	strace $0x80000046;
	[dreg:$0x1] =	wrdreg $0xFFFFFFFF  }
0xa9: {  	s28 =	simm.s32 $_size_execute0_lowered;
	s5 =	sadd.s32 s5, s6;
	[dreg:$0x0] =	wrdreg $0x0  }
0xaa: {  	s6 =	sshll.u32 s28, $0x1;
	[dreg:$0x2] =	wrdreg s5  }
0xab: {  	[dreg:$0x3] =	wrdreg s6  }
0xac: {  	[dreg:$0x4] =	wrdreg $0xC0  }
0xad: {  	_ =	task [dreg:s9], $0x5FFFF  }
0xae: {  	[dreg:$0x1] =	wrdreg $0xFFFFFFFF  }
0xaf: {  	[dreg:$0x0] =	wrdreg $0x60  }
0xb0: {  	[dreg:$0x2] =	wrdreg s2  }
0xb1: {  	[dreg:$0x3] =	wrdreg s19  }
0xb2: {  	[dreg:$0x4] =	wrdreg s4  }
0xb3: {  	[dreg:$0x5] =	wrdreg $0x9  }
0xb4: {  	_ =	task.clear_ibuf [dreg:s9], $0x6FFFF;
	_ =	strace $0x90000046  }
0xb5: {  	s29 =	simm.s32 $0x9;
	_ =	strace $0x80000048  }
0xb6: {  	_ =	swait.ge [sflag:s29], $0x1  }
0xb7: {  	[sflag:s29] =	ssyncadd.s32 $0xFFFFFFFF  }
0xb8: {  	_ =	strace $0x90000048  }
0xb9: {  	_ =	sfence  }
0xba: {  	s30 =	sld [smem:$0x0];
	_ =	sdelay $0x2  }
0xbb: {  	s31 =	sshll.u32 s1, $0xD;
	s1 =	sshrl.u32 s1, $0x2  }
0xbc: {  	s3 =	sand.u32 $0x4000, s31;
	s1 =	sadd.s32 s1, s30  }
0xbd: {  	s0 =	sor.u32 s3, s0;
	s1 =	sshll.u32 s1, $0x11  }
0xbe: {  	s0 =	sor.u32 s1, s0  }
0xbf: {  	s0 =	sadd.s32 $0x8F2B, s0  }
0xc0: {  	[sflag:s0] =	ssyncadd.remote.s32 $0x1  }
0xc1: {  	_ =	sfence.sel $0xFFFF  }
0xc2: {  	[dreg:$0x0] =	wrdreg $0xFFFFFFFF;
	(pc) =	sbr.abs _section_cstart, $3  }
0xc3: {  	[dreg:$0x1] =	wrdreg $0xFFFFFFFF  }
0xc4: {  	_ =	task.clear_ibuf [dreg:s9], $0x2FFFF;
	_ =	strace $0x9FFFFFFF  }
0xc5: {  	(tm) =	ssettm $0x7FFFFFFF  }
tec
execute0_lowered:
.L_overlay_start_1:
0x0: {  	(tag) =	ssettag $0x1  }
0x1: {  	s1 =	rddreg [dreg:$0x0]  }
0x2: {  	s0 =	rddreg [dreg:$0x1];
	s2 =	srdreg.scid  }
0x3: {  	s11 =	stileid.u32;
	s4 =	rddreg [dreg:$0x2];
	s28 =	simm.s32 $0x300  }
0x4: {  	s29 =	simm.s32 $0x14C00;
	s30 =	simm.s32 $0x380;
	s10 =	smul.u32 $0x320000, s11  }
0x5: {  	s2 =	sand.u32 $0x1, s2;
	s3 =	sshll.u32 s11, $0x1;
	s15 =	smul.u32 $0x32000, s11  }
0x6: {  	s31 =	simm.s32 $0x18C00;
	s5 =	sor.u32 s2, s3;
	s18 =	smul.u32 $0x19000, s2  }
0x7: {  	s3 =	simm.s32 $0x0;
	s6 =	ssub.s32 $0x2, s2;
	s2 =	smul.u32 $0x190000, s2  }
0x8: {  	s7 =	smul.u32 $0x19000, s5;
	[smem:$0x7FF] =	sst s3;
	s8 =	sshrl.u32 s6, $0x1  }
0x9: {  	s5 =	smul.u32 $0x190000, s5;
	_ =	strace $0x80000047;
	s6 =	ssub.s32 s6, s8  }
0xa: {  	s20 =	sadd.s32 s18, s15;
	s15 =	simm.s32 $0x80;
	s18 =	simm.s32 $0x100  }
0xb: {  	s12 =	sshrl.u32 s7, $0x3;
	s13 =	sor.u32 $0x190, s7;
	s7 =	sor.u32 $0x320, s7  }
0xc: {  	s6 =	smax.u32 s6, $0x1;
	s16 =	sadd.s32 s4, s5;
	s22 =	sor.u32 $0x7D0, s20  }
0xd: {  	s24 =	sor.u32 $0x640, s20;
	s8 =	sadd.s32 s0, s12;
	s9 =	sshrl.u32 s13, $0x3  }
0xe: {  	[dreg:$0x6] =	wrdreg s6;
	s17 =	sshrl.u32 s7, $0x3;
	s19 =	sshll.u32 s13, $0x4  }
0xf: {  	[dreg:$0x8] =	wrdreg s16;
	s21 =	sadd.s32 $0x18CE00, s16;
	s23 =	sshrl.u32 s22, $0x3  }
0x10: {  	s16 =	simm.s32 $0x400;
	s22 =	simm.s32 $0xC400;
	[dreg:$0x5] =	wrdreg s8  }
0x11: {  	s6 =	simm.s32 $0x0;
	s14 =	sadd.s32 s0, s9;
	[dreg:$0xb] =	wrdreg s21  }
0x12: {  	s5 =	sadd.s32 s0, s17;
	s17 =	simm.s32 $0x4400;
	[dreg:$0x7] =	wrdreg s14  }
0x13: {  	s21 =	simm.s32 $0x180;
	[dreg:$0x9] =	wrdreg s5;
	s5 =	sadd.s32 s4, s19  }
0x14: {  	s4 =	sadd.s32 s10, s4;
	s14 =	simm.s32 $0x5;
	s19 =	simm.s32 $0x8400  }
0x15: {  	[dreg:$0xa] =	wrdreg s5;
	s2 =	sadd.s32 s2, s4;
	s4 =	sshrl.u32 s24, $0x3  }
0x16: {  	s5 =	sor.u32 $0x4B0, s20;
	s20 =	simm.s32 $0x10;
	s24 =	simm.s32 $0xCC00  }
0x17: {  	s7 =	sadd.s32 $0x4B00, s2;
	s2 =	sadd.s32 s23, s0;
	s25 =	sadd.s32 s4, s0  }
0x18: {  	s26 =	sshrl.u32 s5, $0x3;
	s23 =	simm.s32 $0x200;
	s4 =	simm.s32 $0x2  }
0x19: {  	s5 =	simm.s32 $0x4;
	s2 =	sadd.s32 $0xFFFFFF9C, s2;
	[dreg:$0x4] =	wrdreg s25  }
0x1a: {  	s13 =	sadd.s32 s26, s0;
	s25 =	simm.s32 $0x280;
	s26 =	simm.s32 $0x10C00  }
0x1b: {  	s0 =	simm.s32 $0x3;
	[dreg:$0xc] =	wrdreg s2;
	s2 =	simm.s32 $0x1  }
.LBB2_1:
0x1c: {  	s8 =	rddreg [dreg:$0x5]  }
0x1d: {  	[tilespmem:s3], [sflag:$0x5] =	stream.linear.gather [hbm4b:s8+s3], $0x190, $0x38;
	[tilespmem:$0x19400] =	vst v63  }
0x1e: {  	_ =	swait.ge [sflag:s14], $0x190  }
0x1f: {  	[sflag:s14] =	ssyncset.done $0x0  }
0x20: {  	[sflag:s14] =	ssyncadd.s32 $0xFFFFFE70  }
0x21: {  	[tilespmem:s16], [sflag:$0x1] =	stream.indirect.gather [hbm4b:s1+s15], $0x80, s3, s15, $0xb8;
	[tilespmem:$0x19400] =	vst v63  }
0x22: {  	_ = 	snop  }
0x23: {  	[tilespmem:s17], [sflag:$0x1] =	stream.indirect.gather [hbm4b:s1+s15], $0x80, s15, s15, $0xb8;
	[tilespmem:$0x19400] =	vst v63  }
0x24: {  	_ = 	snop  }
0x25: {  	[tilespmem:s19], [sflag:$0x1] =	stream.indirect.gather [hbm4b:s1+s15], $0x80, s18, s15, $0xb8;
	[tilespmem:$0x19400] =	vst v63  }
0x26: {  	_ = 	snop  }
0x27: {  	[tilespmem:s22], [sflag:$0x1] =	stream.indirect.gather [hbm4b:s1+s20], $0x80, s21, s20, $0xb8;
	[tilespmem:$0x19400] =	vst v63  }
0x28: {  	s10 =	rddreg [dreg:$0x7]  }
0x29: {  	[tilespmem:s23], [sflag:$0x5] =	stream.linear.gather [hbm4b:s10+s3], $0x190, $0x38;
	[tilespmem:$0x19400] =	vst v63  }
0x2a: {  	_ =	swait.ge [sflag:s14], $0x190  }
0x2b: {  	[sflag:s14] =	ssyncset.done $0x0  }
0x2c: {  	[sflag:s14] =	ssyncadd.s32 $0xFFFFFE70  }
0x2d: {  	[tilespmem:s24], [sflag:$0x2] =	stream.indirect.gather [hbm4b:s1+s15], $0x80, s23, s15, $0xb8;
	[tilespmem:$0x19400] =	vst v63  }
0x2e: {  	_ = 	snop  }
0x2f: {  	[tilespmem:s26], [sflag:$0x2] =	stream.indirect.gather [hbm4b:s1+s15], $0x80, s25, s15, $0xb8;
	[tilespmem:$0x19400] =	vst v63  }
0x30: {  	_ = 	snop  }
0x31: {  	[tilespmem:s29], [sflag:$0x2] =	stream.indirect.gather [hbm4b:s1+s15], $0x80, s28, s15, $0xb8;
	[tilespmem:$0x19400] =	vst v63  }
0x32: {  	_ = 	snop  }
0x33: {  	[tilespmem:s31], [sflag:$0x2] =	stream.indirect.gather [hbm4b:s1+s20], $0x80, s30, s20, $0xb8;
	[tilespmem:$0x19400] =	vst v63  }
0x34: {  	_ =	swait.ge [sflag:s2], $0xC800  }
0x35: {  	[sflag:s2] =	ssyncset.done $0x0  }
0x36: {  	s11 =	rddreg [dreg:$0x8];
	[sflag:s2] =	ssyncadd.s32 $0xFFFF3800  }
0x37: {  	[hbm4b:s11+s3] =	stream.linear.scatter [tilespmem:s16], [sflag:$0x3], $0xC800, $0x38;
	[tilespmem:$0x19400] =	vst v63  }
0x38: {  	_ =	swait.ge [sflag:s0], $0xC800  }
0x39: {  	[sflag:s0] =	ssyncset.done $0x0  }
0x3a: {  	s12 =	rddreg [dreg:$0x9];
	[sflag:s0] =	ssyncadd.s32 $0xFFFF3800  }
0x3b: {  	[tilespmem:s3], [sflag:$0x5] =	stream.linear.gather [hbm4b:s12+s3], $0x190, $0x38;
	[tilespmem:$0x19400] =	vst v63  }
0x3c: {  	_ =	swait.ge [sflag:s14], $0x190  }
0x3d: {  	[sflag:s14] =	ssyncset.done $0x0  }
0x3e: {  	[sflag:s14] =	ssyncadd.s32 $0xFFFFFE70  }
0x3f: {  	[tilespmem:s16], [sflag:$0x1] =	stream.indirect.gather [hbm4b:s1+s15], $0x80, s3, s15, $0xb8;
	[tilespmem:$0x19400] =	vst v63  }
0x40: {  	_ = 	snop  }
0x41: {  	[tilespmem:s17], [sflag:$0x1] =	stream.indirect.gather [hbm4b:s1+s15], $0x80, s15, s15, $0xb8;
	[tilespmem:$0x19400] =	vst v63  }
0x42: {  	_ = 	snop  }
0x43: {  	[tilespmem:s19], [sflag:$0x1] =	stream.indirect.gather [hbm4b:s1+s15], $0x80, s18, s15, $0xb8;
	[tilespmem:$0x19400] =	vst v63  }
0x44: {  	_ = 	snop  }
0x45: {  	[tilespmem:s22], [sflag:$0x1] =	stream.indirect.gather [hbm4b:s1+s20], $0x80, s21, s20, $0xb8;
	[tilespmem:$0x19400] =	vst v63  }
0x46: {  	_ =	swait.ge [sflag:s4], $0xC800  }
0x47: {  	[sflag:s4] =	ssyncset.done $0x0  }
0x48: {  	s9 =	rddreg [dreg:$0xa];
	[sflag:s4] =	ssyncadd.s32 $0xFFFF3800  }
0x49: {  	[hbm4b:s9+s3] =	stream.linear.scatter [tilespmem:s24], [sflag:$0x4], $0xC800, $0x38;
	[tilespmem:$0x19400] =	vst v63  }
0x4a: {  	_ =	swait.ge [sflag:s5], $0xC800  }
0x4b: {  	[sflag:s5] =	ssyncset.done $0x0  }
0x4c: {  	s10 =	sadd.s32 $0x0, s13;
	[sflag:s5] =	ssyncadd.s32 $0xFFFF3800  }
0x4d: {  	[tilespmem:s23], [sflag:$0x5] =	stream.linear.gather [hbm4b:s10+s3], $0x190, $0x38;
	[tilespmem:$0x19400] =	vst v63  }
0x4e: {  	_ =	swait.ge [sflag:s14], $0x190  }
0x4f: {  	[sflag:s14] =	ssyncset.done $0x0  }
0x50: {  	[sflag:s14] =	ssyncadd.s32 $0xFFFFFE70  }
0x51: {  	[tilespmem:s24], [sflag:$0x2] =	stream.indirect.gather [hbm4b:s1+s15], $0x80, s23, s15, $0xb8;
	[tilespmem:$0x19400] =	vst v63  }
0x52: {  	_ = 	snop  }
0x53: {  	[tilespmem:s26], [sflag:$0x2] =	stream.indirect.gather [hbm4b:s1+s15], $0x80, s25, s15, $0xb8;
	[tilespmem:$0x19400] =	vst v63  }
0x54: {  	_ = 	snop  }
0x55: {  	[tilespmem:s29], [sflag:$0x2] =	stream.indirect.gather [hbm4b:s1+s15], $0x80, s28, s15, $0xb8;
	[tilespmem:$0x19400] =	vst v63  }
0x56: {  	_ = 	snop  }
0x57: {  	[tilespmem:s31], [sflag:$0x2] =	stream.indirect.gather [hbm4b:s1+s20], $0x80, s30, s20, $0xb8;
	[tilespmem:$0x19400] =	vst v63  }
0x58: {  	_ =	swait.ge [sflag:s2], $0xC800  }
0x59: {  	[sflag:s2] =	ssyncset.done $0x0  }
0x5a: {  	s11 =	sadd.s32 $0xFFFFE700, s7;
	[sflag:s2] =	ssyncadd.s32 $0xFFFF3800  }
0x5b: {  	[hbm4b:s11+s3] =	stream.linear.scatter [tilespmem:s16], [sflag:$0x3], $0xC800, $0x38;
	[tilespmem:$0x19400] =	vst v63  }
0x5c: {  	_ =	swait.ge [sflag:s0], $0xC800  }
0x5d: {  	s12 =	rddreg [dreg:$0x4];
	[sflag:s0] =	ssyncset.done $0x0  }
0x5e: {  	[sflag:s0] =	ssyncadd.s32 $0xFFFF3800;
	s8 =	sadd.s32 $0x0, s12  }
0x5f: {  	[tilespmem:s3], [sflag:$0x5] =	stream.linear.gather [hbm4b:s8+s3], $0x190, $0x38;
	[tilespmem:$0x19400] =	vst v63  }
0x60: {  	_ =	swait.ge [sflag:s14], $0x190  }
0x61: {  	[sflag:s14] =	ssyncset.done $0x0  }
0x62: {  	[sflag:s14] =	ssyncadd.s32 $0xFFFFFE70  }
0x63: {  	[tilespmem:s16], [sflag:$0x1] =	stream.indirect.gather [hbm4b:s1+s15], $0x80, s3, s15, $0xb8;
	[tilespmem:$0x19400] =	vst v63  }
0x64: {  	_ = 	snop  }
0x65: {  	[tilespmem:s17], [sflag:$0x1] =	stream.indirect.gather [hbm4b:s1+s15], $0x80, s15, s15, $0xb8;
	[tilespmem:$0x19400] =	vst v63  }
0x66: {  	_ = 	snop  }
0x67: {  	[tilespmem:s19], [sflag:$0x1] =	stream.indirect.gather [hbm4b:s1+s15], $0x80, s18, s15, $0xb8;
	[tilespmem:$0x19400] =	vst v63  }
0x68: {  	_ = 	snop  }
0x69: {  	[tilespmem:s22], [sflag:$0x1] =	stream.indirect.gather [hbm4b:s1+s20], $0x80, s21, s20, $0xb8;
	[tilespmem:$0x19400] =	vst v63  }
0x6a: {  	_ =	swait.ge [sflag:s4], $0xC800  }
0x6b: {  	s9 =	simm.s32 $0x64;
	[sflag:s4] =	ssyncset.done $0x0  }
0x6c: {  	s11 =	smov.u32 s7;
	s8 =	sadd.s32 $0x3200, s7;
	[sflag:s4] =	ssyncadd.s32 $0xFFFF3800  }
.LBB2_2:
0x6d: {  	[hbm4b:s11+s3] =	stream.linear.scatter [tilespmem:s24], [sflag:$0x4], $0xC800, $0x38;
	[tilespmem:$0x19400] =	vst v63  }
0x6e: {  	_ =	swait.ge [sflag:s5], $0xC800  }
0x6f: {  	s10 =	smov.u32 s9;
	[sflag:s5] =	ssyncset.done $0x0  }
0x70: {  	s12 =	sadd.s32 s10, s13;
	[sflag:s5] =	ssyncadd.s32 $0xFFFF3800  }
0x71: {  	[tilespmem:s23], [sflag:$0x5] =	stream.linear.gather [hbm4b:s12+s3], $0x190, $0x38;
	[tilespmem:$0x19400] =	vst v63  }
0x72: {  	_ =	swait.ge [sflag:s14], $0x190  }
0x73: {  	[sflag:s14] =	ssyncset.done $0x0  }
0x74: {  	[sflag:s14] =	ssyncadd.s32 $0xFFFFFE70  }
0x75: {  	[tilespmem:s24], [sflag:$0x2] =	stream.indirect.gather [hbm4b:s1+s15], $0x80, s23, s15, $0xb8;
	[tilespmem:$0x19400] =	vst v63  }
0x76: {  	_ = 	snop  }
0x77: {  	[tilespmem:s26], [sflag:$0x2] =	stream.indirect.gather [hbm4b:s1+s15], $0x80, s25, s15, $0xb8;
	[tilespmem:$0x19400] =	vst v63  }
0x78: {  	_ = 	snop  }
0x79: {  	[tilespmem:s29], [sflag:$0x2] =	stream.indirect.gather [hbm4b:s1+s15], $0x80, s28, s15, $0xb8;
	[tilespmem:$0x19400] =	vst v63  }
0x7a: {  	_ = 	snop  }
0x7b: {  	[tilespmem:s31], [sflag:$0x2] =	stream.indirect.gather [hbm4b:s1+s20], $0x80, s30, s20, $0xb8;
	[tilespmem:$0x19400] =	vst v63  }
0x7c: {  	_ =	swait.ge [sflag:s2], $0xC800  }
0x7d: {  	[sflag:s2] =	ssyncset.done $0x0  }
0x7e: {  	s12 =	sadd.s32 $0xFFFFE700, s8;
	[sflag:s2] =	ssyncadd.s32 $0xFFFF3800  }
0x7f: {  	[hbm4b:s12+s3] =	stream.linear.scatter [tilespmem:s16], [sflag:$0x3], $0xC800, $0x38;
	[tilespmem:$0x19400] =	vst v63  }
0x80: {  	_ =	swait.ge [sflag:s0], $0xC800  }
0x81: {  	s12 =	rddreg [dreg:$0x4];
	[sflag:s0] =	ssyncset.done $0x0  }
0x82: {  	[sflag:s0] =	ssyncadd.s32 $0xFFFF3800;
	s10 =	sadd.s32 s10, s12  }
0x83: {  	[tilespmem:s3], [sflag:$0x5] =	stream.linear.gather [hbm4b:s10+s3], $0x190, $0x38;
	[tilespmem:$0x19400] =	vst v63  }
0x84: {  	_ =	swait.ge [sflag:s14], $0x190  }
0x85: {  	[sflag:s14] =	ssyncset.done $0x0  }
0x86: {  	[sflag:s14] =	ssyncadd.s32 $0xFFFFFE70  }
0x87: {  	[tilespmem:s16], [sflag:$0x1] =	stream.indirect.gather [hbm4b:s1+s15], $0x80, s3, s15, $0xb8;
	[tilespmem:$0x19400] =	vst v63  }
0x88: {  	s9 =	sadd.s32 $0x64, s9  }
0x89: {  	[tilespmem:s17], [sflag:$0x1] =	stream.indirect.gather [hbm4b:s1+s15], $0x80, s15, s15, $0xb8;
	[tilespmem:$0x19400] =	vst v63  }
0x8a: {  	p0 =	sne.s32 s9, $0x3138  }
0x8b: {  	[tilespmem:s19], [sflag:$0x1] =	stream.indirect.gather [hbm4b:s1+s15], $0x80, s18, s15, $0xb8;
	[tilespmem:$0x19400] =	vst v63  }
.Ltmp0:
0x8c: {  	_ = 	snop;
	(pc) =	sbr.rel @p0 .LBB2_2-.Ltmp0, $4  }
0x8d: {  	[tilespmem:s22], [sflag:$0x1] =	stream.indirect.gather [hbm4b:s1+s20], $0x80, s21, s20, $0xb8;
	[tilespmem:$0x19400] =	vst v63  }
0x8e: {  	_ =	swait.ge [sflag:s4], $0xC800  }
0x8f: {  	[sflag:s4] =	ssyncset.done $0x0  }
0x90: {  	s11 =	smov.u32 s8;
	s8 =	sadd.s32 $0x3200, s8;
	[sflag:s4] =	ssyncadd.s32 $0xFFFF3800  }
0x91: {  	[hbm4b:s11+s3] =	stream.linear.scatter [tilespmem:s24], [sflag:$0x4], $0xC800, $0x38;
	[tilespmem:$0x19400] =	vst v63  }
0x92: {  	_ =	swait.ge [sflag:s5], $0xC800  }
0x93: {  	[sflag:s5] =	ssyncset.done $0x0;
	s10 =	rddreg [dreg:$0xc]  }
0x94: {  	[sflag:s5] =	ssyncadd.s32 $0xFFFF3800;
	s9 =	sadd.s32 s9, s10  }
0x95: {  	[tilespmem:s23], [sflag:$0x5] =	stream.linear.gather [hbm4b:s9+s3], $0x190, $0x38;
	[tilespmem:$0x19400] =	vst v63  }
0x96: {  	_ =	swait.ge [sflag:s14], $0x190  }
0x97: {  	[sflag:s14] =	ssyncset.done $0x0  }
0x98: {  	[sflag:s14] =	ssyncadd.s32 $0xFFFFFE70  }
0x99: {  	[tilespmem:s24], [sflag:$0x2] =	stream.indirect.gather [hbm4b:s1+s15], $0x80, s23, s15, $0xb8;
	[tilespmem:$0x19400] =	vst v63  }
0x9a: {  	_ = 	snop  }
0x9b: {  	[tilespmem:s26], [sflag:$0x2] =	stream.indirect.gather [hbm4b:s1+s15], $0x80, s25, s15, $0xb8;
	[tilespmem:$0x19400] =	vst v63  }
0x9c: {  	_ = 	snop  }
0x9d: {  	[tilespmem:s29], [sflag:$0x2] =	stream.indirect.gather [hbm4b:s1+s15], $0x80, s28, s15, $0xb8;
	[tilespmem:$0x19400] =	vst v63  }
0x9e: {  	_ = 	snop  }
0x9f: {  	[tilespmem:s31], [sflag:$0x2] =	stream.indirect.gather [hbm4b:s1+s20], $0x80, s30, s20, $0xb8;
	[tilespmem:$0x19400] =	vst v63  }
0xa0: {  	_ =	swait.ge [sflag:s2], $0xC800  }
0xa1: {  	[sflag:s2] =	ssyncset.done $0x0  }
0xa2: {  	s11 =	rddreg [dreg:$0xb];
	[sflag:s2] =	ssyncadd.s32 $0xFFFF3800  }
0xa3: {  	[hbm4b:s11+s3] =	stream.linear.scatter [tilespmem:s16], [sflag:$0x3], $0xC800, $0x38;
	[tilespmem:$0x19400] =	vst v63  }
0xa4: {  	_ =	swait.ge [sflag:s4], $0xC800  }
0xa5: {  	[sflag:s4] =	ssyncset.done $0x0  }
0xa6: {  	[sflag:s4] =	ssyncadd.s32 $0xFFFF3800  }
0xa7: {  	[hbm4b:s8+s3] =	stream.linear.scatter [tilespmem:s24], [sflag:$0x4], $0xC800, $0x38;
	[tilespmem:$0x19400] =	vst v63  }
0xa8: {  	_ =	swait.ge [sflag:s0], $0xC800  }
0xa9: {  	[sflag:s0] =	ssyncset.done $0x0  }
0xaa: {  	[sflag:s0] =	ssyncadd.s32 $0xFFFF3800  }
0xab: {  	_ =	swait.ge [sflag:s5], $0xC800  }
0xac: {  	s6 =	sadd.s32 $0x1, s6;
	s12 =	rddreg [dreg:$0x6]  }
0xad: {  	p0 =	sne.s32 s6, s12  }
.Ltmp1:
0xae: {  	_ = 	snop;
	(pc) =	sbr.rel @p0 .LBB2_1-.Ltmp1, $3  }
0xaf: {  	_ =	sdelay $0x1  }
0xb0: {  	[sflag:s5] =	ssyncset.done $0x0  }
0xb1: {  	[sflag:s5] =	ssyncadd.s32 $0xFFFF3800  }
0xb2: {  	_ =	sfence.sel $0x180000  }
0xb3: {  	[bflag:$0x0] =	sbarrier.arrive $0xFFFF  }
0xb4: {  	_ =	strace $0x90000047  }
0xb5: {  	s0 =	stileid.u32;
	[bflag:$0x2] =	sbarrier.arrive $0xFFFF  }
0xb6: {  	p0 =	sne.s32 s0, $0x0;
	s0 =	rddreg [dreg:$0x3]  }
0xb7: {  	s0 =	sadd.s32 @!p0 $0x100000, s0  }
0xb8: {  	[sflag:s0] =	ssyncadd.tile.s32 @!p0 $0x1;
	_ =	shalt  }
.Lfunc_end2:
_tile_overlayer_lowered:
.L_overlay_start_2:
0xb9: {  	(tag) =	ssettag $0x2  }
0xba: {  	s0 =	rddreg [dreg:$0x0];
	s2 =	stileid.u32  }
0xbb: {  	s1 =	rddreg [dreg:$0x1];
	p0 =	sne.s32 s2, $0x0  }
0xbc: {  	s3 =	rddreg [dreg:$0x2];
	[bflag:$0x3] =	sbarrier.arrive $0xFFFF;
	s2 =	simm.s32 @!p0 $0x1C05  }
0xbd: {  	[timem:s3], [sflag:s2] =	dma.local @!p0 [hbm:s0], s1  }
0xbe: {  	s0 =	simm.s32 @!p0 $0x5  }
0xbf: {  	_ =	swait.ge @!p0 [sflag:s0], s1  }
0xc0: {  	s1 =	ssub.s32 @!p0 $0x0, s1;
	[sflag:s0] =	ssyncset.done @!p0 $0x0  }
0xc1: {  	[sflag:s0] =	ssyncadd.s32 @!p0 s1  }
0xc2: {  	[bflag:$0x3] =	sbarrier.arrive $0xFFFF  }
0xc3: {  	_ =	shalt  }

</sc_bundles>
